<compile_context>
chip_gen: v7x
topology: tpu7x:2x2x1
jax: 0.10.2.dev20260603
libtpu: 0.0.44.dev20260713+nightly
codegen_flags: <defaults>
</compile_context>

<pallas_src>
import functools

import jax
import jax.numpy as jnp
from jax import lax
from jax.experimental import pallas as pl
from jax.experimental.pallas import tpu as pltpu
from jax.experimental.pallas import tpu_sc as plsc

_B, _C, _H, _W = 8, 96, 384, 384
_K = 8
_CB = 8
_NJ = _C // _CB


def _reduce_body(x_ref, sums_ref):
    sums_ref[...] = jnp.sum(x_ref[...], axis=(2, 3)).reshape(1, 1, 1, _CB)


def _mlp_topk_body(sums_ref, w1t_ref, w2t_ref, idx_ref):
    y = sums_ref[...] * (1.0 / (_H * _W))
    h = jnp.maximum(
        jnp.dot(y, w1t_ref[...], preferred_element_type=jnp.float32), 0.0
    )
    z = jnp.dot(h, w2t_ref[...], preferred_element_type=jnp.float32)
    z = jax.nn.sigmoid(z)
    iota = lax.broadcasted_iota(jnp.int32, (_B, _C), 1)
    cols = []
    for _ in range(_K):
        mx = jnp.max(z, axis=1, keepdims=True)
        idt = jnp.min(jnp.where(z == mx, iota, _C), axis=1)
        cols.append(idt)
        z = jnp.where(iota == idt[:, None], -1.0, z)
    idx_ref[...] = jnp.stack(cols, axis=1).astype(jnp.int32)


def _gather_body(idx_ref, x_ref, o_ref):
    o_ref[...] = x_ref[...]


def _sc_gather(x, idx_flat):
    n = _B * _K
    half = n // 2

    @functools.partial(
        pl.kernel,
        out_type=jax.ShapeDtypeStruct((_B, _K, _H, _W), jnp.float32),
        mesh=plsc.ScalarSubcoreMesh(axis_name="core", num_cores=2),
        scratch_types=[
            pltpu.SMEM((n,), jnp.int32),
            pltpu.SemaphoreType.DMA,
        ],
    )
    def gather_kernel(x_hbm, idx_hbm, out_hbm, idx_smem, sem):
        core = lax.axis_index("core")
        pltpu.sync_copy(idx_hbm, idx_smem)
        base = core * half

        @pl.loop(0, half)
        def _fire(j):
            i = base + j
            b = i // _K
            k = i % _K
            c = idx_smem[i]
            pltpu.async_copy(x_hbm.at[b, c], out_hbm.at[b, k], sem)

        @pl.loop(0, half)
        def _drain(j):
            i = base + j
            b = i // _K
            k = i % _K
            c = idx_smem[i]
            pltpu.make_async_copy(x_hbm.at[b, c], out_hbm.at[b, k], sem).wait()

    return gather_kernel(x, idx_flat)


def kernel(x, W1, W2):
    b, c, h, w = x.shape

    sums = pl.pallas_call(
        _reduce_body,
        grid=(_B, _NJ),
        in_specs=[
            pl.BlockSpec((1, _CB, _H, _W), lambda b, j: (b, j, 0, 0)),
        ],
        out_specs=pl.BlockSpec((1, 1, 1, _CB), lambda b, j: (b, j, 0, 0)),
        out_shape=jax.ShapeDtypeStruct((_B, _NJ, 1, _CB), jnp.float32),
    )(x)
    sums = sums.reshape(_B, _C)

    idx = pl.pallas_call(
        _mlp_topk_body,
        out_shape=jax.ShapeDtypeStruct((_B, _K), jnp.int32),
    )(sums, W1.T, W2.T)

    idx_flat = idx.reshape(_B * _K)

    return _sc_gather(x, idx_flat)

# --- scband reference (transcript-rebuilt; emitter-appended) ---
"""Pipeline reference for scband-block-attention-58110907515325 (READ-ONLY COPY).

The authoritative reference and input builder live on the scoring server;
editing this copy changes nothing except your own understanding.
"""

import jax, jax.numpy as jnp
import numpy as np

NUM_BLOCKS = 96
TOP_K = 8

def setup_inputs(seed: int = 0) -> dict:
    key = jax.random.key(seed)
    k1, k2, k3 = jax.random.split(key, 3)
    x = jax.random.normal(k1, (8, NUM_BLOCKS, 384, 384), dtype=jnp.float32)
    # fc: Linear(num_blocks, num_blocks, bias=False) x2; torch Linear weight is [out, in]
    bound = 1.0 / np.sqrt(NUM_BLOCKS)
    W1 = jax.random.uniform(k2, (NUM_BLOCKS, NUM_BLOCKS), dtype=jnp.float32, minval=-bound, maxval=bound)
    W2 = jax.random.uniform(k3, (NUM_BLOCKS, NUM_BLOCKS), dtype=jnp.float32, minval=-bound, maxval=bound)
    return {"x": x, "W1": W1, "W2": W2}

def reference(x, W1, W2):
    b, c, h, w = x.shape
    # AdaptiveAvgPool2d(1) -> global average pool over spatial dims
    y = jnp.mean(x, axis=(2, 3))  # [b, c]
    # fc: Linear -> ReLU -> Linear -> Sigmoid (torch linear: y @ W.T)
    y = jax.nn.relu(y @ W1.T)
    y = jax.nn.sigmoid(y @ W2.T)
    # top-k over channel dim
    _, top_k_indices = jax.lax.top_k(y, TOP_K)  # [b, top_k]
    idx = top_k_indices[:, :, None, None]  # [b, top_k, 1, 1]
    idx = jnp.broadcast_to(idx, (b, TOP_K, h, w))
    topk_x = jnp.take_along_axis(x, idx, axis=1)  # [b, top_k, h, w]
    return topk_x

if __name__ == "__main__":
    import jax
    _d = setup_inputs()
    print(jax.jit(kernel)(*tuple(_d.values())))

</pallas_src>

<mosaic_0001>
#map = affine_map<(d0) -> (0, 0, 0, 0)>
#map1 = affine_map<(d0) -> (0)>
module attributes {stable_mosaic.version = 14 : i64} {
  func.func @gather_kernel(%arg0: i32, %arg1: memref<8x96x384x384xf32, #tpu.memory_space<hbm>>, %arg2: memref<64xi32, #tpu.memory_space<hbm>>, %arg3: memref<8x8x384x384xf32, #tpu.memory_space<hbm>>, %arg4: memref<64xi32, #tpu.memory_space<smem>>, %arg5: memref<!tpu.dma_semaphore, #tpu.memory_space<semaphore_mem>>) attributes {dimension_semantics = [#tpu.dimension_semantics<core_parallel>], iteration_bounds = array<i64: 2>, scalar_prefetch = 0 : i64, scratch_operands = 2 : i64, tpu.core_type = #tpu.core_type<sc_scalar_subcore>, window_params = [{transform_indices = #map}, {transform_indices = #map1}, {transform_indices = #map}]} {
    "tpu.region"() ({
      %run_scoped3A = tpu.sem_alloc : memref<!tpu.dma_semaphore, #tpu.memory_space<semaphore_mem>>
      tpu.enqueue_dma source(%arg2 : memref<64xi32, #tpu.memory_space<hbm>>) target(%arg4 : memref<64xi32, #tpu.memory_space<smem>>) target_semaphore(%run_scoped3A : memref<!tpu.dma_semaphore, #tpu.memory_space<semaphore_mem>>)
      tpu.wait_dma2 semaphore(%run_scoped3A : memref<!tpu.dma_semaphore, #tpu.memory_space<semaphore_mem>>) src(%arg2 : memref<64xi32, #tpu.memory_space<hbm>>) dst(%arg4 : memref<64xi32, #tpu.memory_space<smem>>)
      tpu.yield
    }) : () -> ()
    %mul3A = arith.constant 32 : i32
    %mul3A_0 = arith.muli %arg0, %mul3A : i32
    %scan3A = arith.constant 0 : i32
    %scan3A_1 = arith.constant 32 : i32
    %scan3A_2 = arith.addi %scan3A, %scan3A_1 : i32
    %scan3A_3 = arith.constant 1 : i32
    scf.for %scan3A_10 = %scan3A to %scan3A_2 step %scan3A_3  : i32 {
      %mul3A_11 = arith.constant 1 : i32
      %mul3A_12 = arith.muli %scan3A_10, %mul3A_11 : i32
      %add3A = arith.constant 0 : i32
      %add3A_13 = arith.addi %add3A, %mul3A_12 : i32
      %add3A_14 = arith.addi %mul3A_0, %add3A_13 : i32
      %jit3A = arith.constant 8 : i32
      %div3A = arith.divsi %add3A_14, %jit3A : i32
      %sign3A = arith.constant 0 : i32
      %sign3A_15 = arith.cmpi sgt, %add3A_14, %sign3A : i32
      %sign3A_16 = arith.extui %sign3A_15 : i1 to i32
      %sign3A_17 = arith.constant 0 : i32
      %sign3A_18 = arith.cmpi slt, %add3A_14, %sign3A_17 : i32
      %sign3A_19 = arith.extui %sign3A_18 : i1 to i32
      %sign3A_20 = arith.subi %sign3A_16, %sign3A_19 : i32
      %sign3A_21 = arith.constant 0 : i32
      %sign3A_22 = arith.cmpi sgt, %jit3A, %sign3A_21 : i32
      %sign3A_23 = arith.extui %sign3A_22 : i1 to i32
      %sign3A_24 = arith.constant 0 : i32
      %sign3A_25 = arith.cmpi slt, %jit3A, %sign3A_24 : i32
      %sign3A_26 = arith.extui %sign3A_25 : i1 to i32
      %sign3A_27 = arith.subi %sign3A_23, %sign3A_26 : i32
      %ne3A = arith.cmpi ne, %sign3A_20, %sign3A_27 : i32
      %rem3A = arith.remsi %add3A_14, %jit3A : i32
      %ne3A_28 = arith.constant 0 : i32
      %ne3A_29 = arith.cmpi ne, %rem3A, %ne3A_28 : i32
      %and3A = arith.andi %ne3A, %ne3A_29 : i1
      %sub3A = arith.constant 1 : i32
      %sub3A_30 = arith.subi %div3A, %sub3A : i32
      %select_n3A = arith.select %and3A, %sub3A_30, %div3A : i32
      %jit3A_31 = arith.constant 8 : i32
      %eq3A = arith.constant 0 : i32
      %eq3A_32 = arith.cmpi eq, %jit3A_31, %eq3A : i32
      %jit3A_33 = arith.constant 1 : i32
      %select_n3A_34 = arith.select %eq3A_32, %jit3A_33, %jit3A_31 : i32
      %rem3A_35 = arith.remsi %add3A_14, %select_n3A_34 : i32
      %ne3A_36 = arith.constant 0 : i32
      %ne3A_37 = arith.cmpi ne, %rem3A_35, %ne3A_36 : i32
      %lt3A = arith.constant 0 : i32
      %lt3A_38 = arith.cmpi slt, %rem3A_35, %lt3A : i32
      %lt3A_39 = arith.constant 0 : i32
      %lt3A_40 = arith.cmpi slt, %select_n3A_34, %lt3A_39 : i32
      %ne3A_41 = arith.xori %lt3A_38, %lt3A_40 : i1
      %and3A_42 = arith.andi %ne3A_41, %ne3A_37 : i1
      %add3A_43 = arith.addi %rem3A_35, %select_n3A_34 : i32
      %select_n3A_44 = arith.select %and3A_42, %add3A_43, %rem3A_35 : i32
      %get3A = arith.index_cast %add3A_14 : i32 to index
      %get3A_45 = memref.load %arg4[%get3A] : memref<64xi32, #tpu.memory_space<smem>>
      %dma_start3A = arith.constant 0 : i32
      %dma_start3A_46 = arith.constant 0 : i32
      %dma_start3A_47 = tpu.memref_slice %arg3[%select_n3A, %select_n3A_44, %dma_start3A, %dma_start3A_46] : memref<8x8x384x384xf32, #tpu.memory_space<hbm>> -> memref<1x1x384x384xf32, #tpu.memory_space<hbm>>
      %dma_start3A_48 = tpu.memref_squeeze %dma_start3A_47 : memref<1x1x384x384xf32, #tpu.memory_space<hbm>> -> memref<384x384xf32, #tpu.memory_space<hbm>>
      %dma_start3A_49 = arith.constant 0 : i32
      %dma_start3A_50 = arith.constant 0 : i32
      %dma_start3A_51 = tpu.memref_slice %arg1[%select_n3A, %get3A_45, %dma_start3A_49, %dma_start3A_50] : memref<8x96x384x384xf32, #tpu.memory_space<hbm>> -> memref<1x1x384x384xf32, #tpu.memory_space<hbm>>
      %dma_start3A_52 = tpu.memref_squeeze %dma_start3A_51 : memref<1x1x384x384xf32, #tpu.memory_space<hbm>> -> memref<384x384xf32, #tpu.memory_space<hbm>>
      tpu.enqueue_dma source(%dma_start3A_52 : memref<384x384xf32, #tpu.memory_space<hbm>>) target(%dma_start3A_48 : memref<384x384xf32, #tpu.memory_space<hbm>>) target_semaphore(%arg5 : memref<!tpu.dma_semaphore, #tpu.memory_space<semaphore_mem>>)
    }
    %scan3A_4 = arith.constant 32 : i32
    %scan3A_5 = arith.constant 0 : i32
    %scan3A_6 = arith.constant 32 : i32
    %scan3A_7 = arith.addi %scan3A_5, %scan3A_6 : i32
    %scan3A_8 = arith.constant 1 : i32
    scf.for %scan3A_10 = %scan3A_5 to %scan3A_7 step %scan3A_8  : i32 {
      %mul3A_11 = arith.constant 1 : i32
      %mul3A_12 = arith.muli %scan3A_10, %mul3A_11 : i32
      %add3A = arith.constant 0 : i32
      %add3A_13 = arith.addi %add3A, %mul3A_12 : i32
      %add3A_14 = arith.addi %mul3A_0, %add3A_13 : i32
      %jit3A = arith.constant 8 : i32
      %div3A = arith.divsi %add3A_14, %jit3A : i32
      %sign3A = arith.constant 0 : i32
      %sign3A_15 = arith.cmpi sgt, %add3A_14, %sign3A : i32
      %sign3A_16 = arith.extui %sign3A_15 : i1 to i32
      %sign3A_17 = arith.constant 0 : i32
      %sign3A_18 = arith.cmpi slt, %add3A_14, %sign3A_17 : i32
      %sign3A_19 = arith.extui %sign3A_18 : i1 to i32
      %sign3A_20 = arith.subi %sign3A_16, %sign3A_19 : i32
      %sign3A_21 = arith.constant 0 : i32
      %sign3A_22 = arith.cmpi sgt, %jit3A, %sign3A_21 : i32
      %sign3A_23 = arith.extui %sign3A_22 : i1 to i32
      %sign3A_24 = arith.constant 0 : i32
      %sign3A_25 = arith.cmpi slt, %jit3A, %sign3A_24 : i32
      %sign3A_26 = arith.extui %sign3A_25 : i1 to i32
      %sign3A_27 = arith.subi %sign3A_23, %sign3A_26 : i32
      %ne3A = arith.cmpi ne, %sign3A_20, %sign3A_27 : i32
      %rem3A = arith.remsi %add3A_14, %jit3A : i32
      %ne3A_28 = arith.constant 0 : i32
      %ne3A_29 = arith.cmpi ne, %rem3A, %ne3A_28 : i32
      %and3A = arith.andi %ne3A, %ne3A_29 : i1
      %sub3A = arith.constant 1 : i32
      %sub3A_30 = arith.subi %div3A, %sub3A : i32
      %select_n3A = arith.select %and3A, %sub3A_30, %div3A : i32
      %jit3A_31 = arith.constant 8 : i32
      %eq3A = arith.constant 0 : i32
      %eq3A_32 = arith.cmpi eq, %jit3A_31, %eq3A : i32
      %jit3A_33 = arith.constant 1 : i32
      %select_n3A_34 = arith.select %eq3A_32, %jit3A_33, %jit3A_31 : i32
      %rem3A_35 = arith.remsi %add3A_14, %select_n3A_34 : i32
      %ne3A_36 = arith.constant 0 : i32
      %ne3A_37 = arith.cmpi ne, %rem3A_35, %ne3A_36 : i32
      %lt3A = arith.constant 0 : i32
      %lt3A_38 = arith.cmpi slt, %rem3A_35, %lt3A : i32
      %lt3A_39 = arith.constant 0 : i32
      %lt3A_40 = arith.cmpi slt, %select_n3A_34, %lt3A_39 : i32
      %ne3A_41 = arith.xori %lt3A_38, %lt3A_40 : i1
      %and3A_42 = arith.andi %ne3A_41, %ne3A_37 : i1
      %add3A_43 = arith.addi %rem3A_35, %select_n3A_34 : i32
      %select_n3A_44 = arith.select %and3A_42, %add3A_43, %rem3A_35 : i32
      %get3A = arith.index_cast %add3A_14 : i32 to index
      %get3A_45 = memref.load %arg4[%get3A] : memref<64xi32, #tpu.memory_space<smem>>
      %dma_wait3A = arith.constant 0 : i32
      %dma_wait3A_46 = arith.constant 0 : i32
      %dma_wait3A_47 = tpu.memref_slice %arg3[%select_n3A, %select_n3A_44, %dma_wait3A, %dma_wait3A_46] : memref<8x8x384x384xf32, #tpu.memory_space<hbm>> -> memref<1x1x384x384xf32, #tpu.memory_space<hbm>>
      %dma_wait3A_48 = tpu.memref_squeeze %dma_wait3A_47 : memref<1x1x384x384xf32, #tpu.memory_space<hbm>> -> memref<384x384xf32, #tpu.memory_space<hbm>>
      %dma_wait3A_49 = arith.constant 0 : i32
      %dma_wait3A_50 = arith.constant 0 : i32
      %dma_wait3A_51 = tpu.memref_slice %arg1[%select_n3A, %get3A_45, %dma_wait3A_49, %dma_wait3A_50] : memref<8x96x384x384xf32, #tpu.memory_space<hbm>> -> memref<1x1x384x384xf32, #tpu.memory_space<hbm>>
      %dma_wait3A_52 = tpu.memref_squeeze %dma_wait3A_51 : memref<1x1x384x384xf32, #tpu.memory_space<hbm>> -> memref<384x384xf32, #tpu.memory_space<hbm>>
      tpu.wait_dma2 semaphore(%arg5 : memref<!tpu.dma_semaphore, #tpu.memory_space<semaphore_mem>>) src(%dma_wait3A_52 : memref<384x384xf32, #tpu.memory_space<hbm>>) dst(%dma_wait3A_48 : memref<384x384xf32, #tpu.memory_space<hbm>>)
    }
    %scan3A_9 = arith.constant 32 : i32
    return
  }
}

module attributes {stable_mosaic.version = 14 : i64} {
  func.func @_reduce_body(%arg0: i32, %arg1: i32, %arg2: memref<1x8x384x384xf32, #tpu.memory_space<vmem>>, %arg3: memref<1x1x1x8xf32, #tpu.memory_space<vmem>>) attributes {dimension_semantics = [#tpu.dimension_semantics<arbitrary>, #tpu.dimension_semantics<arbitrary>], iteration_bounds = array<i64: 8, 12>, scalar_prefetch = 0 : i64, scratch_operands = 0 : i64, tpu.core_type = #tpu.core_type<tc>, window_params = [{transform_indices = @transform_0, window_bounds = array<i64: 1, 8, 384, 384>}, {transform_indices = @transform_1, window_bounds = array<i64: 1, 1, 1, 8>}]} {
    %get3A = arith.constant 0 : index
    %get3A_0 = arith.constant 0 : index
    %get3A_1 = arith.constant 0 : index
    %get3A_2 = arith.constant 0 : index
    %get3A_3 = vector.load %arg2[%get3A, %get3A_0, %get3A_1, %get3A_2] : memref<1x8x384x384xf32, #tpu.memory_space<vmem>>, vector<1x8x384x384xf32>
    %reduce_sum3A = arith.constant dense<0.000000e+00> : vector<1x8xf32>
    %reduce_sum3A_4 = vector.multi_reduction <add>, %get3A_3, %reduce_sum3A [2, 3] : vector<1x8x384x384xf32> to vector<1x8xf32>
    %reshape3A = vector.shape_cast %reduce_sum3A_4 : vector<1x8xf32> to vector<1x1x1x8xf32>
    %swap3A = arith.constant 0 : index
    %swap3A_5 = arith.constant 0 : index
    %swap3A_6 = arith.constant 0 : index
    %swap3A_7 = arith.constant 0 : index
    %swap3A_8 = vector.load %arg3[%swap3A, %swap3A_5, %swap3A_6, %swap3A_7] : memref<1x1x1x8xf32, #tpu.memory_space<vmem>>, vector<1x1x1x8xf32>
    tpu.vector_store %arg3[%swap3A, %swap3A_5, %swap3A_6, %swap3A_7], %reshape3A {strides = array<i32>} : memref<1x1x1x8xf32, #tpu.memory_space<vmem>>, vector<1x1x1x8xf32>,
    return
  }
  func.func @transform_0(%arg0: i32, %arg1: i32) -> (i32, i32, i32, i32) {
    %c0_i32 = arith.constant 0 : i32
    %c0_i32_0 = arith.constant 0 : i32
    %c0_i32_1 = arith.constant 0 : i32
    return %arg0, %arg1, %c0_i32, %c0_i32_0 : i32, i32, i32, i32
  }
  func.func @transform_1(%arg0: i32, %arg1: i32) -> (i32, i32, i32, i32) {
    %c0_i32 = arith.constant 0 : i32
    %c0_i32_0 = arith.constant 0 : i32
    %c0_i32_1 = arith.constant 0 : i32
    return %arg0, %arg1, %c0_i32, %c0_i32_0 : i32, i32, i32, i32
  }
}

module attributes {stable_mosaic.version = 14 : i64} {
  func.func @_mlp_topk_body(%arg0: memref<8x96xf32, #tpu.memory_space<vmem>>, %arg1: memref<96x96xf32, #tpu.memory_space<vmem>>, %arg2: memref<96x96xf32, #tpu.memory_space<vmem>>, %arg3: memref<8x8xi32, #tpu.memory_space<vmem>>) attributes {dimension_semantics = [], scalar_prefetch = 0 : i64, scratch_operands = 0 : i64, tpu.core_type = #tpu.core_type<tc>} {
    %get3A = arith.constant 0 : index
    %get3A_0 = arith.constant 0 : index
    %get3A_1 = vector.load %arg0[%get3A, %get3A_0] : memref<8x96xf32, #tpu.memory_space<vmem>>, vector<8x96xf32>
    %mul3A = arith.constant 6.78168407E-6 : f32
    %mul3A_2 = vector.broadcast %mul3A : f32 to vector<8x96xf32>
    %mul3A_3 = arith.mulf %get3A_1, %mul3A_2 : vector<8x96xf32>
    %get3A_4 = arith.constant 0 : index
    %get3A_5 = arith.constant 0 : index
    %get3A_6 = vector.load %arg1[%get3A_4, %get3A_5] : memref<96x96xf32, #tpu.memory_space<vmem>>, vector<96x96xf32>
    %dot_general3A = arith.constant dense<0.000000e+00> : vector<8x96xf32>
    %dot_general3A_7 = tpu.matmul %mul3A_3, %get3A_6, %dot_general3A {dimension_numbers = #tpu.dot_dimension_numbers<[1], [0], [0], [1], [0, 0, 1, 1], [], []>, transpose_lhs_hint = false} : vector<8x96xf32>, vector<96x96xf32>, vector<8x96xf32> -> vector<8x96xf32>
    %max3A = arith.constant 0.000000e+00 : f32
    %max3A_8 = vector.broadcast %max3A : f32 to vector<8x96xf32>
    %max3A_9 = arith.maximumf %dot_general3A_7, %max3A_8 : vector<8x96xf32>
    %get3A_10 = arith.constant 0 : index
    %get3A_11 = arith.constant 0 : index
    %get3A_12 = vector.load %arg2[%get3A_10, %get3A_11] : memref<96x96xf32, #tpu.memory_space<vmem>>, vector<96x96xf32>
    %dot_general3A_13 = arith.constant dense<0.000000e+00> : vector<8x96xf32>
    %dot_general3A_14 = tpu.matmul %max3A_9, %get3A_12, %dot_general3A_13 {dimension_numbers = #tpu.dot_dimension_numbers<[1], [0], [0], [1], [0, 0, 1, 1], [], []>, transpose_lhs_hint = false} : vector<8x96xf32>, vector<96x96xf32>, vector<8x96xf32> -> vector<8x96xf32>
    %logistic3A = arith.negf %dot_general3A_14 : vector<8x96xf32>
    %logistic3A_15 = math.exp %logistic3A : vector<8x96xf32>
    %logistic3A_16 = arith.constant 1.000000e+00 : f32
    %logistic3A_17 = vector.broadcast %logistic3A_16 : f32 to vector<8x96xf32>
    %logistic3A_18 = arith.addf %logistic3A_17, %logistic3A_15 : vector<8x96xf32>
    %logistic3A_19 = arith.divf %logistic3A_17, %logistic3A_18 : vector<8x96xf32>
    %iota3A = tpu.iota {dimensions = array<i32: 1>} : vector<8x96xi32>
    %reduce_max3A = arith.constant dense<0xFF800000> : vector<8xf32>
    %reduce_max3A_20 = vector.multi_reduction <maximumf>, %logistic3A_19, %reduce_max3A [1] : vector<8x96xf32> to vector<8xf32>
    %broadcast_in_dim3A = vector.shape_cast %reduce_max3A_20 : vector<8xf32> to vector<8x1xf32>
    %eq3A = vector.broadcast %broadcast_in_dim3A : vector<8x1xf32> to vector<8x96xf32>
    %eq3A_21 = arith.cmpf oeq, %logistic3A_19, %eq3A : vector<8x96xf32>
    %jit3A = arith.constant 96 : i32
    %broadcast_in_dim3A_22 = vector.broadcast %jit3A : i32 to vector<8x96xi32>
    %select_n3A = arith.select %eq3A_21, %iota3A, %broadcast_in_dim3A_22 : vector<8x96xi1>, vector<8x96xi32>
    %reduce_min3A = arith.constant dense<2147483647> : vector<8xi32>
    %reduce_min3A_23 = vector.multi_reduction <minsi>, %select_n3A, %reduce_min3A [1] : vector<8x96xi32> to vector<8xi32>
    %broadcast_in_dim3A_24 = vector.shape_cast %reduce_min3A_23 : vector<8xi32> to vector<8x1xi32>
    %eq3A_25 = vector.broadcast %broadcast_in_dim3A_24 : vector<8x1xi32> to vector<8x96xi32>
    %eq3A_26 = arith.cmpi eq, %iota3A, %eq3A_25 : vector<8x96xi32>
    %jit3A_27 = arith.constant -1.000000e+00 : f32
    %broadcast_in_dim3A_28 = vector.broadcast %jit3A_27 : f32 to vector<8x96xf32>
    %select_n3A_29 = arith.select %eq3A_26, %broadcast_in_dim3A_28, %logistic3A_19 : vector<8x96xi1>, vector<8x96xf32>
    %reduce_max3A_30 = arith.constant dense<0xFF800000> : vector<8xf32>
    %reduce_max3A_31 = vector.multi_reduction <maximumf>, %select_n3A_29, %reduce_max3A_30 [1] : vector<8x96xf32> to vector<8xf32>
    %broadcast_in_dim3A_32 = vector.shape_cast %reduce_max3A_31 : vector<8xf32> to vector<8x1xf32>
    %eq3A_33 = vector.broadcast %broadcast_in_dim3A_32 : vector<8x1xf32> to vector<8x96xf32>
    %eq3A_34 = arith.cmpf oeq, %select_n3A_29, %eq3A_33 : vector<8x96xf32>
    %jit3A_35 = arith.constant 96 : i32
    %broadcast_in_dim3A_36 = vector.broadcast %jit3A_35 : i32 to vector<8x96xi32>
    %select_n3A_37 = arith.select %eq3A_34, %iota3A, %broadcast_in_dim3A_36 : vector<8x96xi1>, vector<8x96xi32>
    %reduce_min3A_38 = arith.constant dense<2147483647> : vector<8xi32>
    %reduce_min3A_39 = vector.multi_reduction <minsi>, %select_n3A_37, %reduce_min3A_38 [1] : vector<8x96xi32> to vector<8xi32>
    %broadcast_in_dim3A_40 = vector.shape_cast %reduce_min3A_39 : vector<8xi32> to vector<8x1xi32>
    %eq3A_41 = vector.broadcast %broadcast_in_dim3A_40 : vector<8x1xi32> to vector<8x96xi32>
    %eq3A_42 = arith.cmpi eq, %iota3A, %eq3A_41 : vector<8x96xi32>
    %jit3A_43 = arith.constant -1.000000e+00 : f32
    %broadcast_in_dim3A_44 = vector.broadcast %jit3A_43 : f32 to vector<8x96xf32>
    %select_n3A_45 = arith.select %eq3A_42, %broadcast_in_dim3A_44, %select_n3A_29 : vector<8x96xi1>, vector<8x96xf32>
    %reduce_max3A_46 = arith.constant dense<0xFF800000> : vector<8xf32>
    %reduce_max3A_47 = vector.multi_reduction <maximumf>, %select_n3A_45, %reduce_max3A_46 [1] : vector<8x96xf32> to vector<8xf32>
    %broadcast_in_dim3A_48 = vector.shape_cast %reduce_max3A_47 : vector<8xf32> to vector<8x1xf32>
    %eq3A_49 = vector.broadcast %broadcast_in_dim3A_48 : vector<8x1xf32> to vector<8x96xf32>
    %eq3A_50 = arith.cmpf oeq, %select_n3A_45, %eq3A_49 : vector<8x96xf32>
    %jit3A_51 = arith.constant 96 : i32
    %broadcast_in_dim3A_52 = vector.broadcast %jit3A_51 : i32 to vector<8x96xi32>
    %select_n3A_53 = arith.select %eq3A_50, %iota3A, %broadcast_in_dim3A_52 : vector<8x96xi1>, vector<8x96xi32>
    %reduce_min3A_54 = arith.constant dense<2147483647> : vector<8xi32>
    %reduce_min3A_55 = vector.multi_reduction <minsi>, %select_n3A_53, %reduce_min3A_54 [1] : vector<8x96xi32> to vector<8xi32>
    %broadcast_in_dim3A_56 = vector.shape_cast %reduce_min3A_55 : vector<8xi32> to vector<8x1xi32>
    %eq3A_57 = vector.broadcast %broadcast_in_dim3A_56 : vector<8x1xi32> to vector<8x96xi32>
    %eq3A_58 = arith.cmpi eq, %iota3A, %eq3A_57 : vector<8x96xi32>
    %jit3A_59 = arith.constant -1.000000e+00 : f32
    %broadcast_in_dim3A_60 = vector.broadcast %jit3A_59 : f32 to vector<8x96xf32>
    %select_n3A_61 = arith.select %eq3A_58, %broadcast_in_dim3A_60, %select_n3A_45 : vector<8x96xi1>, vector<8x96xf32>
    %reduce_max3A_62 = arith.constant dense<0xFF800000> : vector<8xf32>
    %reduce_max3A_63 = vector.multi_reduction <maximumf>, %select_n3A_61, %reduce_max3A_62 [1] : vector<8x96xf32> to vector<8xf32>
    %broadcast_in_dim3A_64 = vector.shape_cast %reduce_max3A_63 : vector<8xf32> to vector<8x1xf32>
    %eq3A_65 = vector.broadcast %broadcast_in_dim3A_64 : vector<8x1xf32> to vector<8x96xf32>
    %eq3A_66 = arith.cmpf oeq, %select_n3A_61, %eq3A_65 : vector<8x96xf32>
    %jit3A_67 = arith.constant 96 : i32
    %broadcast_in_dim3A_68 = vector.broadcast %jit3A_67 : i32 to vector<8x96xi32>
    %select_n3A_69 = arith.select %eq3A_66, %iota3A, %broadcast_in_dim3A_68 : vector<8x96xi1>, vector<8x96xi32>
    %reduce_min3A_70 = arith.constant dense<2147483647> : vector<8xi32>
    %reduce_min3A_71 = vector.multi_reduction <minsi>, %select_n3A_69, %reduce_min3A_70 [1] : vector<8x96xi32> to vector<8xi32>
    %broadcast_in_dim3A_72 = vector.shape_cast %reduce_min3A_71 : vector<8xi32> to vector<8x1xi32>
    %eq3A_73 = vector.broadcast %broadcast_in_dim3A_72 : vector<8x1xi32> to vector<8x96xi32>
    %eq3A_74 = arith.cmpi eq, %iota3A, %eq3A_73 : vector<8x96xi32>
    %jit3A_75 = arith.constant -1.000000e+00 : f32
    %broadcast_in_dim3A_76 = vector.broadcast %jit3A_75 : f32 to vector<8x96xf32>
    %select_n3A_77 = arith.select %eq3A_74, %broadcast_in_dim3A_76, %select_n3A_61 : vector<8x96xi1>, vector<8x96xf32>
    %reduce_max3A_78 = arith.constant dense<0xFF800000> : vector<8xf32>
    %reduce_max3A_79 = vector.multi_reduction <maximumf>, %select_n3A_77, %reduce_max3A_78 [1] : vector<8x96xf32> to vector<8xf32>
    %broadcast_in_dim3A_80 = vector.shape_cast %reduce_max3A_79 : vector<8xf32> to vector<8x1xf32>
    %eq3A_81 = vector.broadcast %broadcast_in_dim3A_80 : vector<8x1xf32> to vector<8x96xf32>
    %eq3A_82 = arith.cmpf oeq, %select_n3A_77, %eq3A_81 : vector<8x96xf32>
    %jit3A_83 = arith.constant 96 : i32
    %broadcast_in_dim3A_84 = vector.broadcast %jit3A_83 : i32 to vector<8x96xi32>
    %select_n3A_85 = arith.select %eq3A_82, %iota3A, %broadcast_in_dim3A_84 : vector<8x96xi1>, vector<8x96xi32>
    %reduce_min3A_86 = arith.constant dense<2147483647> : vector<8xi32>
    %reduce_min3A_87 = vector.multi_reduction <minsi>, %select_n3A_85, %reduce_min3A_86 [1] : vector<8x96xi32> to vector<8xi32>
    %broadcast_in_dim3A_88 = vector.shape_cast %reduce_min3A_87 : vector<8xi32> to vector<8x1xi32>
    %eq3A_89 = vector.broadcast %broadcast_in_dim3A_88 : vector<8x1xi32> to vector<8x96xi32>
    %eq3A_90 = arith.cmpi eq, %iota3A, %eq3A_89 : vector<8x96xi32>
    %jit3A_91 = arith.constant -1.000000e+00 : f32
    %broadcast_in_dim3A_92 = vector.broadcast %jit3A_91 : f32 to vector<8x96xf32>
    %select_n3A_93 = arith.select %eq3A_90, %broadcast_in_dim3A_92, %select_n3A_77 : vector<8x96xi1>, vector<8x96xf32>
    %reduce_max3A_94 = arith.constant dense<0xFF800000> : vector<8xf32>
    %reduce_max3A_95 = vector.multi_reduction <maximumf>, %select_n3A_93, %reduce_max3A_94 [1] : vector<8x96xf32> to vector<8xf32>
    %broadcast_in_dim3A_96 = vector.shape_cast %reduce_max3A_95 : vector<8xf32> to vector<8x1xf32>
    %eq3A_97 = vector.broadcast %broadcast_in_dim3A_96 : vector<8x1xf32> to vector<8x96xf32>
    %eq3A_98 = arith.cmpf oeq, %select_n3A_93, %eq3A_97 : vector<8x96xf32>
    %jit3A_99 = arith.constant 96 : i32
    %broadcast_in_dim3A_100 = vector.broadcast %jit3A_99 : i32 to vector<8x96xi32>
    %select_n3A_101 = arith.select %eq3A_98, %iota3A, %broadcast_in_dim3A_100 : vector<8x96xi1>, vector<8x96xi32>
    %reduce_min3A_102 = arith.constant dense<2147483647> : vector<8xi32>
    %reduce_min3A_103 = vector.multi_reduction <minsi>, %select_n3A_101, %reduce_min3A_102 [1] : vector<8x96xi32> to vector<8xi32>
    %broadcast_in_dim3A_104 = vector.shape_cast %reduce_min3A_103 : vector<8xi32> to vector<8x1xi32>
    %eq3A_105 = vector.broadcast %broadcast_in_dim3A_104 : vector<8x1xi32> to vector<8x96xi32>
    %eq3A_106 = arith.cmpi eq, %iota3A, %eq3A_105 : vector<8x96xi32>
    %jit3A_107 = arith.constant -1.000000e+00 : f32
    %broadcast_in_dim3A_108 = vector.broadcast %jit3A_107 : f32 to vector<8x96xf32>
    %select_n3A_109 = arith.select %eq3A_106, %broadcast_in_dim3A_108, %select_n3A_93 : vector<8x96xi1>, vector<8x96xf32>
    %reduce_max3A_110 = arith.constant dense<0xFF800000> : vector<8xf32>
    %reduce_max3A_111 = vector.multi_reduction <maximumf>, %select_n3A_109, %reduce_max3A_110 [1] : vector<8x96xf32> to vector<8xf32>
    %broadcast_in_dim3A_112 = vector.shape_cast %reduce_max3A_111 : vector<8xf32> to vector<8x1xf32>
    %eq3A_113 = vector.broadcast %broadcast_in_dim3A_112 : vector<8x1xf32> to vector<8x96xf32>
    %eq3A_114 = arith.cmpf oeq, %select_n3A_109, %eq3A_113 : vector<8x96xf32>
    %jit3A_115 = arith.constant 96 : i32
    %broadcast_in_dim3A_116 = vector.broadcast %jit3A_115 : i32 to vector<8x96xi32>
    %select_n3A_117 = arith.select %eq3A_114, %iota3A, %broadcast_in_dim3A_116 : vector<8x96xi1>, vector<8x96xi32>
    %reduce_min3A_118 = arith.constant dense<2147483647> : vector<8xi32>
    %reduce_min3A_119 = vector.multi_reduction <minsi>, %select_n3A_117, %reduce_min3A_118 [1] : vector<8x96xi32> to vector<8xi32>
    %broadcast_in_dim3A_120 = vector.shape_cast %reduce_min3A_119 : vector<8xi32> to vector<8x1xi32>
    %eq3A_121 = vector.broadcast %broadcast_in_dim3A_120 : vector<8x1xi32> to vector<8x96xi32>
    %eq3A_122 = arith.cmpi eq, %iota3A, %eq3A_121 : vector<8x96xi32>
    %jit3A_123 = arith.constant -1.000000e+00 : f32
    %broadcast_in_dim3A_124 = vector.broadcast %jit3A_123 : f32 to vector<8x96xf32>
    %select_n3A_125 = arith.select %eq3A_122, %broadcast_in_dim3A_124, %select_n3A_109 : vector<8x96xi1>, vector<8x96xf32>
    %reduce_max3A_126 = arith.constant dense<0xFF800000> : vector<8xf32>
    %reduce_max3A_127 = vector.multi_reduction <maximumf>, %select_n3A_125, %reduce_max3A_126 [1] : vector<8x96xf32> to vector<8xf32>
    %broadcast_in_dim3A_128 = vector.shape_cast %reduce_max3A_127 : vector<8xf32> to vector<8x1xf32>
    %eq3A_129 = vector.broadcast %broadcast_in_dim3A_128 : vector<8x1xf32> to vector<8x96xf32>
    %eq3A_130 = arith.cmpf oeq, %select_n3A_125, %eq3A_129 : vector<8x96xf32>
    %jit3A_131 = arith.constant 96 : i32
    %broadcast_in_dim3A_132 = vector.broadcast %jit3A_131 : i32 to vector<8x96xi32>
    %select_n3A_133 = arith.select %eq3A_130, %iota3A, %broadcast_in_dim3A_132 : vector<8x96xi1>, vector<8x96xi32>
    %reduce_min3A_134 = arith.constant dense<2147483647> : vector<8xi32>
    %reduce_min3A_135 = vector.multi_reduction <minsi>, %select_n3A_133, %reduce_min3A_134 [1] : vector<8x96xi32> to vector<8xi32>
    %stack3A = vector.shape_cast %reduce_min3A_23 : vector<8xi32> to vector<8x1xi32>
    %stack3A_136 = vector.shape_cast %reduce_min3A_39 : vector<8xi32> to vector<8x1xi32>
    %stack3A_137 = vector.shape_cast %reduce_min3A_55 : vector<8xi32> to vector<8x1xi32>
    %stack3A_138 = vector.shape_cast %reduce_min3A_71 : vector<8xi32> to vector<8x1xi32>
    %stack3A_139 = vector.shape_cast %reduce_min3A_87 : vector<8xi32> to vector<8x1xi32>
    %stack3A_140 = vector.shape_cast %reduce_min3A_103 : vector<8xi32> to vector<8x1xi32>
    %stack3A_141 = vector.shape_cast %reduce_min3A_119 : vector<8xi32> to vector<8x1xi32>
    %stack3A_142 = vector.shape_cast %reduce_min3A_135 : vector<8xi32> to vector<8x1xi32>
    %stack3A_143 = tpu.concatenate %stack3A, %stack3A_136, %stack3A_137, %stack3A_138, %stack3A_139, %stack3A_140, %stack3A_141, %stack3A_142 in 1 : vector<8x1xi32>, vector<8x1xi32>, vector<8x1xi32>, vector<8x1xi32>, vector<8x1xi32>, vector<8x1xi32>, vector<8x1xi32>, vector<8x1xi32> -> vector<8x8xi32>
    %swap3A = arith.constant 0 : index
    %swap3A_144 = arith.constant 0 : index
    %swap3A_145 = vector.load %arg3[%swap3A, %swap3A_144] : memref<8x8xi32, #tpu.memory_space<vmem>>, vector<8x8xi32>
    tpu.vector_store %arg3[%swap3A, %swap3A_144], %stack3A_143 {strides = array<i32>} : memref<8x8xi32, #tpu.memory_space<vmem>>, vector<8x8xi32>,
    return
  }
}

</mosaic_0001>

<sc_bundles>
// kernel: kernel.5.cloned.1.call-start
scs
__scs_entry_jumppad:
0x0: {  	(pc) =	sbr.rel $0x88, $3  }
0x1: {  	(tag) =	ssettag $0x0;
	lr =	simm.s32 $0x1  }
0x2: {  	[smem:$0x3F9E] =	sst lr;
	_ =	strace $0xD0000000  }
0x3: {  	_ = 	snop  }
0x4: {  	_ = 	snop  }
0x5: {  	_ = 	snop  }
0x6: {  	_ = 	snop  }
0x7: {  	_ = 	snop  }
__scs_overlays_trampoline_lowered:
0x8: {  	[smem:$0x3FAD] =	sst s0  }
0x9: {  	[smem:$0x3FAE] =	sst s1  }
0xa: {  	[smem:$0x3FAF] =	sst s2  }
0xb: {  	[smem:$0x3FB0] =	sst s3  }
0xc: {  	[smem:$0x3FB1] =	sst s4  }
0xd: {  	[smem:$0x3FB2] =	sst s5  }
0xe: {  	[smem:$0x3FB3] =	sst s6  }
0xf: {  	[smem:$0x3FB4] =	sst s7  }
0x10: {  	[smem:$0x3FB5] =	sst s8  }
0x11: {  	[smem:$0x3FB6] =	sst s9;
	s0 =	simm.s32 @!p0 $0x0  }
0x12: {  	s1 =	sld [smem:$0x3F9C];
	s0 =	simm.s32 @p0 $0x1  }
0x13: {  	[smem:$0x3FB7] =	sst s0;
	s0 =	simm.s32 @!p1 $0x0  }
0x14: {  	s2 =	sld [smem:$0x3F9B];
	s0 =	simm.s32 @p1 $0x1  }
0x15: {  	[smem:$0x3FB8] =	sst s0;
	s0 =	simm.s32 @!p2 $0x0  }
0x16: {  	s3 =	sld [smem:$0x3FDB];
	s0 =	simm.s32 @p2 $0x1  }
0x17: {  	s4 =	simm.s32 $0x1BF5;
	[smem:$0x3FBA] =	sst s0  }
0x18: {  	s0 =	sld [smem:$0x3F9D];
	_ =	swait.ge [sflag:s4], $0x0  }
0x19: {  	s7 =	sld [smem:$0x3F9E]  }
0x1a: {  	s8 =	sadd.s32 $0xFFFFE003, lr  }
0x1b: {  	s9 =	sadd.s32 $0xFFFFFEF7, lr;
	s5 =	simm.s32 $0xFFFFFFFF;
	p2 =	slt.u32 s8, $0xFFFFF086  }
0x1c: {  	p1 =	slt.u32 s9, $0xF7A;
	s5 =	simm.s32 @!p2 $0x0  }
0x1d: {  	s5 =	simm.s32 @p1 $0x1;
	p0 =	seq.s32 s7, s2  }
0x1e: {  	s7 =	smul.u32 @!p0 $0xF7A, s2;
	p2 =	seq.s32 @!p0 s5, $0x0  }
0x1f: {  	s9 =	smul.u32 $0xF7A, s1;
	s8 =	simm.s32 @!p0 $0x1BF5;
	p2 =	por !p2, p0  }
0x20: {  	[sflag:s8] =	ssyncset.s32 @!p0 $0xFFFFF086;
	s6 =	sadd.s32 @!p0 s3, s7;
	s7 =	simm.s32 @!p0 $0x108  }
0x21: {  	s3 =	sadd.s32 s3, s9;
	s6 =	sadd.s32 @!p0 $0x88, s6;
	s7 =	simm.s32 @p2 $0x1082  }
0x22: {  	[simem:s7], [sflag:s8] =	dma.local @!p0 [hbm:s6], $0xF7A  }
0x23: {  	s9 =	sor.u32 $0xD0000000, s2;
	s6 =	simm.s32 $0x108;
	_ =	swait.ge @!p0 [sflag:s8], $0x0  }
0x24: {  	s3 =	sadd.s32 $0x88, s3;
	s6 =	simm.s32 @!p1 $0x1082;
	[sflag:s4] =	ssyncset.s32 $0xFFFFF086  }
0x25: {  	[simem:s6], [sflag:s4] =	dma.local [hbm:s3], $0xF7A  }
0x26: {  	[smem:$0x3F9E] =	sst s1;
	(tag) =	ssettag s2;
	_ =	strace s9  }
0x27: {  	s1 =	sld [smem:$0x3FAE]  }
0x28: {  	s2 =	sld [smem:$0x3FAF]  }
0x29: {  	s4 =	sld [smem:$0x3FB1]  }
0x2a: {  	p0 =	seq.s32 s5, $0x0;
	s5 =	sld [smem:$0x3FB2]  }
0x2b: {  	s6 =	sld [smem:$0x3FB3]  }
0x2c: {  	s7 =	sld [smem:$0x3FB4]  }
0x2d: {  	s3 =	simm.s32 $0x108;
	s8 =	sld [smem:$0x3FB5]  }
0x2e: {  	s3 =	simm.s32 @!p0 $0x1082;
	s9 =	sld [smem:$0x3FB6]  }
0x2f: {  	lr =	sadd.s32 s0, s3;
	s0 =	sld [smem:$0x3FAD]  }
0x30: {  	s3 =	sld [smem:$0x3FB0]  }
0x31: {  	[smem:$0x3FB9] =	sst s10  }
0x32: {  	s10 =	sld [smem:$0x3FB7];
	_ =	sdelay $0x3  }
0x33: {  	p0 =	seq.s32 s10, $0x1;
	s10 =	sld [smem:$0x3FB9];
	_ =	sdelay $0x3  }
0x34: {  	[smem:$0x3FB9] =	sst s10  }
0x35: {  	s10 =	sld [smem:$0x3FB8];
	_ =	sdelay $0x3  }
0x36: {  	p1 =	seq.s32 s10, $0x1;
	s10 =	sld [smem:$0x3FB9];
	_ =	sdelay $0x3  }
0x37: {  	[smem:$0x3FB9] =	sst s10  }
0x38: {  	s10 =	sld [smem:$0x3FBA]  }
0x39: {  	_ = 	snop;
	(pc) =	sbr.ind lr, $3  }
0x3a: {  	_ = 	snop  }
0x3b: {  	_ = 	snop  }
0x3c: {  	p2 =	seq.s32 s10, $0x1;
	s10 =	sld [smem:$0x3FB9]  }
0x3d: {  	_ =	shalt  }
0x3e: {  	_ =	shalt  }
0x3f: {  	_ =	shalt  }
0x40: {  	_ =	shalt  }
0x41: {  	_ =	shalt  }
0x42: {  	_ =	shalt  }
0x43: {  	_ =	shalt  }
0x44: {  	_ =	shalt  }
0x45: {  	_ =	shalt  }
0x46: {  	_ =	shalt  }
0x47: {  	_ =	shalt  }
0x48: {  	_ =	shalt  }
0x49: {  	_ =	shalt  }
0x4a: {  	_ =	shalt  }
0x4b: {  	_ =	shalt  }
0x4c: {  	_ =	shalt  }
0x4d: {  	_ =	shalt  }
0x4e: {  	_ =	shalt  }
0x4f: {  	_ =	shalt  }
0x50: {  	_ =	shalt  }
0x51: {  	_ =	shalt  }
0x52: {  	_ =	shalt  }
0x53: {  	_ =	shalt  }
0x54: {  	_ =	shalt  }
0x55: {  	_ =	shalt  }
0x56: {  	_ =	shalt  }
0x57: {  	_ =	shalt  }
0x58: {  	_ =	shalt  }
0x59: {  	_ =	shalt  }
0x5a: {  	_ =	shalt  }
0x5b: {  	_ =	shalt  }
0x5c: {  	_ =	shalt  }
0x5d: {  	_ =	shalt  }
0x5e: {  	_ =	shalt  }
0x5f: {  	_ =	shalt  }
0x60: {  	_ =	shalt  }
0x61: {  	_ =	shalt  }
0x62: {  	_ =	shalt  }
0x63: {  	_ =	shalt  }
0x64: {  	_ =	shalt  }
0x65: {  	_ =	shalt  }
0x66: {  	_ =	shalt  }
0x67: {  	_ =	shalt  }
0x68: {  	_ =	shalt  }
0x69: {  	_ =	shalt  }
0x6a: {  	_ =	shalt  }
0x6b: {  	_ =	shalt  }
0x6c: {  	_ =	shalt  }
0x6d: {  	_ =	shalt  }
0x6e: {  	_ =	shalt  }
0x6f: {  	_ =	shalt  }
0x70: {  	_ =	shalt  }
0x71: {  	_ =	shalt  }
0x72: {  	_ =	shalt  }
0x73: {  	_ =	shalt  }
0x74: {  	_ =	shalt  }
0x75: {  	_ =	shalt  }
0x76: {  	_ =	shalt  }
0x77: {  	_ =	shalt  }
0x78: {  	_ =	shalt  }
0x79: {  	_ =	shalt  }
0x7a: {  	_ =	shalt  }
0x7b: {  	_ =	shalt  }
0x7c: {  	_ =	shalt  }
0x7d: {  	_ =	shalt  }
0x7e: {  	_ =	shalt  }
0x7f: {  	_ =	shalt  }
0x80: {  	_ =	shalt  }
0x81: {  	_ =	shalt  }
0x82: {  	_ =	shalt  }
0x83: {  	_ =	shalt  }
0x84: {  	_ =	shalt  }
0x85: {  	_ =	shalt  }
0x86: {  	_ =	shalt  }
0x87: {  	_ =	shalt  }
.Lfunc_end0:
.L_simem_size_0:
called_computation_lowered:
.L_overlay_start_0:
0x88: {  	s2 =	sld [smem:$0x3FD9]  }
0x89: {  	s3 =	sld [smem:$0x3FFE];
	_ =	sdelay $0x1  }
0x8a: {  	s1 =	srdreg.scid  }
0x8b: {  	s0 =	sand.u32 $0x1, s1  }
0x8c: {  	s28 =	sshll.u32 s0, $0xA;
	s2 =	sadd.s32 s3, s2  }
0x8d: {  	s2 =	sadd.s32 s2, s28  }
0x8e: {  	s4 =	simm.s32 $0x0;
	[smem:$0x3FC5] =	sst s2  }
0x8f: {  	[smem:$0xF] =	sst s4  }
0x90: {  	s2 =	sld [smem:$0x3FC9]  }
0x91: {  	s3 =	sld [smem:$0x3FD0];
	(tm) =	ssettm $0x1  }
0x92: {  	s5 =	sld [smem:$0x3FFB];
	_ =	sdelay $0x3  }
0x93: {  	_ =	strace s5  }
0x94: {  	s5 =	sld [smem:$0x3FFC];
	_ =	sdelay $0x3  }
0x95: {  	_ =	strace s5  }
0x96: {  	s5 =	sld [smem:$0x3FFD];
	_ =	sdelay $0x3  }
0x97: {  	_ =	strace s5  }
0x98: {  	s29 =	simm.s32 $0x1B8B;
	_ =	strace $0x8FFFFFFF  }
0x99: {  	s30 =	simm.s32 $0x1B8E;
	_ =	swait.ge [sflag:s29], $0x1  }
0x9a: {  	s8 =	simm.s32 $0xA;
	[sflag:s29] =	ssyncset.done $0x0;
	s6 =	sld [smem:$0x3FFE]  }
0x9b: {  	s31 =	simm.s32 $0x10;
	s11 =	simm.s32 $0x1;
	[sflag:s29] =	ssyncadd.s32 $0xFFFFFFFF  }
0x9c: {  	s7 =	sand.u32 $0x7, s4;
	s5 =	sshll.u32 s0, $0x5;
	[smem:$0x3FD2] =	sst s30  }
0x9d: {  	p1 =	sne.s32 s7, $0x0;
	s9 =	sadd.s32 $0x0, s5;
	_ =	strace $0x80000046  }
0x9e: {  	[smem:s31], [sflag:s8] =	dma.local [hbm:s6], $0x10  }
0x9f: {  	s4 =	simm.s32 $0x9;
	p0 =	seq.s32 s9, $0x0;
	_ =	swait.ge [sflag:s8], $0x10  }
0xa0: {  	s9 =	sshrl.u32 s9, $0x3;
	p0 =	por !p0, !p1;
	[sflag:s8] =	ssyncset.done $0x0  }
0xa1: {  	p0 =	por !p0, !p0;
	s6 =	sor.u32 $0x10, s5;
	[sflag:s8] =	ssyncadd.s32 $0xFFFFFFF0  }
0xa2: {  	s11 =	simm.s32 @!p0 $0x0;
	s8 =	simm.s32 $0x1;
	s10 =	sld [smem:s6+$0x0]  }
.LBB1_1:
0xa3: {  	p0 =	sne.s32 s8, $0x1F;
	s9 =	ssub.s32 s9, s11;
	s11 =	smul.u32 $0x24000, s7  }
0xa4: {  	s7 =	sadd.s32 s8, s5;
	s12 =	smul.u32 $0x120000, s9  }
0xa5: {  	s6 =	sadd.s32 $0x1, s6;
	s13 =	smul.u32 $0xD80000, s9;
	s9 =	sshrl.u32 s7, $0x3  }
0xa6: {  	p1 =	seq.s32 s7, $0x0;
	s7 =	sand.u32 $0x7, s8;
	s10 =	smul.u32 $0x24000, s10  }
0xa7: {  	p2 =	sne.s32 s7, $0x0  }
0xa8: {  	s11 =	sadd.s32 s11, s12;
	p1 =	por !p1, !p2;
	s10 =	sadd.s32 s13, s10  }
0xa9: {  	s11 =	sshrl.u32 s11, $0x3;
	p1 =	por !p1, !p1;
	s10 =	sshrl.u32 s10, $0x3  }
.Ltmp0:
0xaa: {  	s11 =	sadd.s32 s3, s11;
	s10 =	sadd.s32 s2, s10;
	(pc) =	sbr.rel @p0 .LBB1_1-.Ltmp0, $3  }
0xab: {  	[hbm:s11], [sflag:s4] =	dma.local [hbm:s10], $0x4800  }
0xac: {  	s11 =	simm.s32 $0x1  }
0xad: {  	s8 =	sadd.s32 $0x1, s8;
	s11 =	simm.s32 @!p1 $0x0;
	s10 =	sld [smem:s6+$0x0]  }
0xae: {  	s5 =	ssub.s32 s9, s11;
	s6 =	smul.u32 $0x24000, s7  }
0xaf: {  	s26 =	smul.u32 $0x120000, s5  }
0xb0: {  	s5 =	smul.u32 $0xD80000, s5  }
0xb1: {  	s8 =	smul.u32 $0x24000, s10;
	_ =	sdelay $0x1  }
0xb2: {  	s6 =	sadd.s32 s6, s26;
	s5 =	sadd.s32 s5, s8  }
0xb3: {  	s6 =	sshrl.u32 s6, $0x3;
	s5 =	sshrl.u32 s5, $0x3  }
0xb4: {  	s28 =	simm.s32 $0x9;
	s3 =	sadd.s32 s3, s6;
	s2 =	sadd.s32 s2, s5  }
0xb5: {  	[hbm:s3], [sflag:s4] =	dma.local [hbm:s2], $0x4800  }
0xb6: {  	_ =	swait.ge [sflag:s28], $0x4800  }
0xb7: {  	[sflag:s28] =	ssyncset.done $0x0  }
0xb8: {  	[sflag:s28] =	ssyncadd.s32 $0xFFFFB800;
	_ =	sdelay $0x2  }
0xb9: {  	_ =	swait.ge [sflag:s28], $0x4800  }
0xba: {  	[sflag:s28] =	ssyncset.done $0x0  }
0xbb: {  	[sflag:s28] =	ssyncadd.s32 $0xFFFFB800;
	_ =	sdelay $0x2  }
0xbc: {  	_ =	swait.ge [sflag:s28], $0x4800  }
0xbd: {  	[sflag:s28] =	ssyncset.done $0x0  }
0xbe: {  	[sflag:s28] =	ssyncadd.s32 $0xFFFFB800;
	_ =	sdelay $0x2  }
0xbf: {  	_ =	swait.ge [sflag:s28], $0x4800  }
0xc0: {  	[sflag:s28] =	ssyncset.done $0x0  }
0xc1: {  	[sflag:s28] =	ssyncadd.s32 $0xFFFFB800;
	_ =	sdelay $0x2  }
0xc2: {  	_ =	swait.ge [sflag:s28], $0x4800  }
0xc3: {  	[sflag:s28] =	ssyncset.done $0x0  }
0xc4: {  	[sflag:s28] =	ssyncadd.s32 $0xFFFFB800;
	_ =	sdelay $0x2  }
0xc5: {  	_ =	swait.ge [sflag:s28], $0x4800  }
0xc6: {  	[sflag:s28] =	ssyncset.done $0x0  }
0xc7: {  	[sflag:s28] =	ssyncadd.s32 $0xFFFFB800;
	_ =	sdelay $0x2  }
0xc8: {  	_ =	swait.ge [sflag:s28], $0x4800  }
0xc9: {  	[sflag:s28] =	ssyncset.done $0x0  }
0xca: {  	[sflag:s28] =	ssyncadd.s32 $0xFFFFB800;
	_ =	sdelay $0x2  }
0xcb: {  	_ =	swait.ge [sflag:s28], $0x4800  }
0xcc: {  	[sflag:s28] =	ssyncset.done $0x0  }
0xcd: {  	[sflag:s28] =	ssyncadd.s32 $0xFFFFB800;
	_ =	sdelay $0x2  }
0xce: {  	_ =	swait.ge [sflag:s28], $0x4800  }
0xcf: {  	[sflag:s28] =	ssyncset.done $0x0  }
0xd0: {  	[sflag:s28] =	ssyncadd.s32 $0xFFFFB800;
	_ =	sdelay $0x2  }
0xd1: {  	_ =	swait.ge [sflag:s28], $0x4800  }
0xd2: {  	[sflag:s28] =	ssyncset.done $0x0  }
0xd3: {  	[sflag:s28] =	ssyncadd.s32 $0xFFFFB800;
	_ =	sdelay $0x2  }
0xd4: {  	_ =	swait.ge [sflag:s28], $0x4800  }
0xd5: {  	[sflag:s28] =	ssyncset.done $0x0  }
0xd6: {  	[sflag:s28] =	ssyncadd.s32 $0xFFFFB800;
	_ =	sdelay $0x2  }
0xd7: {  	_ =	swait.ge [sflag:s28], $0x4800  }
0xd8: {  	[sflag:s28] =	ssyncset.done $0x0  }
0xd9: {  	[sflag:s28] =	ssyncadd.s32 $0xFFFFB800;
	_ =	sdelay $0x2  }
0xda: {  	_ =	swait.ge [sflag:s28], $0x4800  }
0xdb: {  	[sflag:s28] =	ssyncset.done $0x0  }
0xdc: {  	[sflag:s28] =	ssyncadd.s32 $0xFFFFB800;
	_ =	sdelay $0x2  }
0xdd: {  	_ =	swait.ge [sflag:s28], $0x4800  }
0xde: {  	[sflag:s28] =	ssyncset.done $0x0  }
0xdf: {  	[sflag:s28] =	ssyncadd.s32 $0xFFFFB800;
	_ =	sdelay $0x2  }
0xe0: {  	_ =	swait.ge [sflag:s28], $0x4800  }
0xe1: {  	[sflag:s28] =	ssyncset.done $0x0  }
0xe2: {  	[sflag:s28] =	ssyncadd.s32 $0xFFFFB800;
	_ =	sdelay $0x2  }
0xe3: {  	_ =	swait.ge [sflag:s28], $0x4800  }
0xe4: {  	[sflag:s28] =	ssyncset.done $0x0  }
0xe5: {  	[sflag:s28] =	ssyncadd.s32 $0xFFFFB800;
	_ =	sdelay $0x2  }
0xe6: {  	_ =	swait.ge [sflag:s28], $0x4800  }
0xe7: {  	[sflag:s28] =	ssyncset.done $0x0  }
0xe8: {  	[sflag:s28] =	ssyncadd.s32 $0xFFFFB800;
	_ =	sdelay $0x2  }
0xe9: {  	_ =	swait.ge [sflag:s28], $0x4800  }
0xea: {  	[sflag:s28] =	ssyncset.done $0x0  }
0xeb: {  	[sflag:s28] =	ssyncadd.s32 $0xFFFFB800;
	_ =	sdelay $0x2  }
0xec: {  	_ =	swait.ge [sflag:s28], $0x4800  }
0xed: {  	[sflag:s28] =	ssyncset.done $0x0  }
0xee: {  	[sflag:s28] =	ssyncadd.s32 $0xFFFFB800;
	_ =	sdelay $0x2  }
0xef: {  	_ =	swait.ge [sflag:s28], $0x4800  }
0xf0: {  	[sflag:s28] =	ssyncset.done $0x0  }
0xf1: {  	[sflag:s28] =	ssyncadd.s32 $0xFFFFB800;
	_ =	sdelay $0x2  }
0xf2: {  	_ =	swait.ge [sflag:s28], $0x4800  }
0xf3: {  	[sflag:s28] =	ssyncset.done $0x0  }
0xf4: {  	[sflag:s28] =	ssyncadd.s32 $0xFFFFB800;
	_ =	sdelay $0x2  }
0xf5: {  	_ =	swait.ge [sflag:s28], $0x4800  }
0xf6: {  	[sflag:s28] =	ssyncset.done $0x0  }
0xf7: {  	[sflag:s28] =	ssyncadd.s32 $0xFFFFB800;
	_ =	sdelay $0x2  }
0xf8: {  	_ =	swait.ge [sflag:s28], $0x4800  }
0xf9: {  	[sflag:s28] =	ssyncset.done $0x0  }
0xfa: {  	[sflag:s28] =	ssyncadd.s32 $0xFFFFB800;
	_ =	sdelay $0x2  }
0xfb: {  	_ =	swait.ge [sflag:s28], $0x4800  }
0xfc: {  	[sflag:s28] =	ssyncset.done $0x0  }
0xfd: {  	[sflag:s28] =	ssyncadd.s32 $0xFFFFB800;
	_ =	sdelay $0x2  }
0xfe: {  	_ =	swait.ge [sflag:s28], $0x4800  }
0xff: {  	[sflag:s28] =	ssyncset.done $0x0  }
0x100: {  	[sflag:s28] =	ssyncadd.s32 $0xFFFFB800;
	_ =	sdelay $0x2  }
0x101: {  	_ =	swait.ge [sflag:s28], $0x4800  }
0x102: {  	[sflag:s28] =	ssyncset.done $0x0  }
0x103: {  	[sflag:s28] =	ssyncadd.s32 $0xFFFFB800;
	_ =	sdelay $0x2  }
0x104: {  	_ =	swait.ge [sflag:s28], $0x4800  }
0x105: {  	[sflag:s28] =	ssyncset.done $0x0  }
0x106: {  	[sflag:s28] =	ssyncadd.s32 $0xFFFFB800;
	_ =	sdelay $0x2  }
0x107: {  	_ =	swait.ge [sflag:s28], $0x4800  }
0x108: {  	[sflag:s28] =	ssyncset.done $0x0  }
0x109: {  	[sflag:s28] =	ssyncadd.s32 $0xFFFFB800;
	_ =	sdelay $0x2  }
0x10a: {  	_ =	swait.ge [sflag:s28], $0x4800  }
0x10b: {  	[sflag:s28] =	ssyncset.done $0x0  }
0x10c: {  	[sflag:s28] =	ssyncadd.s32 $0xFFFFB800;
	_ =	sdelay $0x2  }
0x10d: {  	_ =	swait.ge [sflag:s28], $0x4800  }
0x10e: {  	[sflag:s28] =	ssyncset.done $0x0  }
0x10f: {  	[sflag:s28] =	ssyncadd.s32 $0xFFFFB800;
	_ =	sdelay $0x2  }
0x110: {  	_ =	swait.ge [sflag:s28], $0x4800  }
0x111: {  	[sflag:s28] =	ssyncset.done $0x0  }
0x112: {  	[sflag:s28] =	ssyncadd.s32 $0xFFFFB800;
	_ =	sdelay $0x2  }
0x113: {  	_ =	swait.ge [sflag:s28], $0x4800  }
0x114: {  	[sflag:s28] =	ssyncset.done $0x0  }
0x115: {  	[sflag:s28] =	ssyncadd.s32 $0xFFFFB800  }
0x116: {  	_ =	strace $0x90000046  }
0x117: {  	_ =	sfence  }
0x118: {  	s29 =	sld [smem:$0x0];
	_ =	sdelay $0x2  }
0x119: {  	s30 =	sshll.u32 s1, $0xD;
	s31 =	sshrl.u32 s1, $0x2  }
0x11a: {  	s3 =	sand.u32 $0x4000, s30;
	s1 =	sadd.s32 s31, s29  }
0x11b: {  	s0 =	sor.u32 s3, s0;
	s1 =	sshll.u32 s1, $0x11  }
0x11c: {  	s0 =	sor.u32 s1, s0  }
0x11d: {  	s0 =	sadd.s32 $0x8F2B, s0;
	(pc) =	sbr.abs _section_cstart, $3  }
0x11e: {  	[sflag:s0] =	ssyncadd.remote.s32 $0x1  }
0x11f: {  	_ =	strace $0x9FFFFFFF  }
0x120: {  	(tm) =	ssettm $0x7FFFFFFF  }
0x121: {  	_ =	shalt  }

</sc_bundles>
